<compile_context>
chip_gen: v7x
topology: tpu7x:2x2x1
jax: 0.10.2.dev20260603
libtpu: 0.0.44.dev20260713+nightly
codegen_flags: <defaults>
</compile_context>

<pallas_src>
import functools

import jax
import jax.numpy as jnp
from jax import lax
from jax.experimental import pallas as pl
from jax.experimental.pallas import tpu as pltpu
from jax.experimental.pallas import tpu_sc as plsc

_NUM_FIELDS = 26
_VOCAB = 100000
_EMBED_DIM = 32
_BATCH = 4096

_NUM_CORES = 2
_NUM_SUBCORES = 16
_NUM_WORKERS = _NUM_CORES * _NUM_SUBCORES

_TOTAL_ROWS = _BATCH * _NUM_FIELDS
_ROWS_PER_WORKER = _TOTAL_ROWS // _NUM_WORKERS
_CHUNK = 128
_NUM_CHUNKS = _ROWS_PER_WORKER // _CHUNK
_LANES = 16


def _body(idx_hbm, tab_hbm, out_hbm, idx_raw_v, idx_flat_v, rows_v, sem):
    wid = lax.axis_index("s") * _NUM_CORES + lax.axis_index("c")
    base = wid * _ROWS_PER_WORKER

    pltpu.sync_copy(idx_hbm.at[pl.ds(base, _ROWS_PER_WORKER)], idx_raw_v)

    def compute(t, carry):
        q = t * _LANES
        pos = q + lax.iota(jnp.int32, _LANES)
        off = (pos % _NUM_FIELDS) * _VOCAB
        idx_flat_v[pl.ds(q, _LANES)] = idx_raw_v[pl.ds(q, _LANES)] + off
        return carry

    lax.fori_loop(0, _ROWS_PER_WORKER // _LANES, compute, 0, unroll=4)

    def fire(j, carry):
        q = j * _CHUNK
        pltpu.make_async_copy(
            tab_hbm.at[idx_flat_v.at[pl.ds(q, _CHUNK)]],
            rows_v.at[pl.ds(q, _CHUNK)],
            sem,
        ).start()
        return carry

    lax.fori_loop(0, _NUM_CHUNKS, fire, 0)

    pltpu.make_async_copy(
        out_hbm.at[pl.ds(base, _ROWS_PER_WORKER)], rows_v, sem
    ).wait()

    pltpu.sync_copy(rows_v, out_hbm.at[pl.ds(base, _ROWS_PER_WORKER)])


@jax.jit
def _embed(categorical_inputs, tables):
    idx_flat = categorical_inputs.reshape(_TOTAL_ROWS)
    tab_flat = tables.reshape(_NUM_FIELDS * _VOCAB, _EMBED_DIM)

    mesh = plsc.VectorSubcoreMesh(core_axis_name="c", subcore_axis_name="s")
    out = pl.kernel(
        _body,
        out_type=jax.ShapeDtypeStruct((_TOTAL_ROWS, _EMBED_DIM), jnp.float32),
        mesh=mesh,
        scratch_types=[
            pltpu.VMEM((_ROWS_PER_WORKER,), jnp.int32),
            pltpu.VMEM((_ROWS_PER_WORKER,), jnp.int32),
            pltpu.VMEM((_ROWS_PER_WORKER, _EMBED_DIM), jnp.float32),
            pltpu.SemaphoreType.DMA,
        ],
        compiler_params=pltpu.CompilerParams(use_tc_tiling_on_sc=False),
    )(idx_flat, tab_flat)
    return out.reshape(_BATCH, _NUM_FIELDS * _EMBED_DIM)


def kernel(categorical_inputs, tables):
    return _embed(categorical_inputs, tables)

# --- scband reference (transcript-rebuilt; emitter-appended) ---
"""Pipeline reference for scband-conditional-embedding-67181878444499 (READ-ONLY COPY).

The authoritative reference and input builder live on the scoring server;
editing this copy changes nothing except your own understanding.
"""

import jax, jax.numpy as jnp
import numpy as np

NUM_FIELDS = 26
VOCAB = 100000
EMBED_DIM = 32
BATCH = 4096


def setup_inputs(seed: int = 0) -> dict:
    key = jax.random.key(seed)
    k_idx, k_tab = jax.random.split(key)
    categorical_inputs = jax.random.randint(k_idx, (BATCH, NUM_FIELDS), 0, VOCAB, dtype=jnp.int32)
    # stacked embedding tables, one per categorical field, init N(0, 0.02)
    tables = jax.random.normal(k_tab, (NUM_FIELDS, VOCAB, EMBED_DIM), dtype=jnp.float32) * 0.02
    return {"categorical_inputs": categorical_inputs, "tables": tables}


def reference(categorical_inputs, tables):
    # Per-field embedding lookup (gather), then concat along feature dim.
    # output_dim == total_input_dim so output_proj is Identity; dropout=0.0 is a no-op.
    embs = []
    for i in range(NUM_FIELDS):
        cat_emb = jnp.take(tables[i], categorical_inputs[:, i], axis=0)  # [B, EMBED_DIM]
        embs.append(cat_emb)
    x = jnp.concatenate(embs, axis=1)  # [B, NUM_FIELDS * EMBED_DIM]
    return x

if __name__ == "__main__":
    import jax
    _d = setup_inputs()
    print(jax.jit(kernel)(*tuple(_d.values())))

</pallas_src>

<mosaic_0001>
#map = affine_map<(d0, d1) -> (0)>
#map1 = affine_map<(d0, d1) -> (0, 0)>
module attributes {stable_mosaic.version = 14 : i64} {
  func.func @_body(%arg0: i32, %arg1: i32, %arg2: memref<106496xi32, #tpu.memory_space<hbm>>, %arg3: memref<2600000x32xf32, #tpu.memory_space<hbm>>, %arg4: memref<106496x32xf32, #tpu.memory_space<hbm>>, %arg5: memref<3328xi32, #tpu.memory_space<vmem>>, %arg6: memref<3328xi32, #tpu.memory_space<vmem>>, %arg7: memref<3328x32xf32, #tpu.memory_space<vmem>>, %arg8: memref<!tpu.dma_semaphore, #tpu.memory_space<semaphore_mem>>) attributes {dimension_semantics = [#tpu.dimension_semantics<core_parallel>, #tpu.dimension_semantics<subcore_parallel>], iteration_bounds = array<i64: 2, 16>, scalar_prefetch = 0 : i64, scratch_operands = 4 : i64, tpu.core_type = #tpu.core_type<sc_vector_subcore>, window_params = [{transform_indices = #map}, {transform_indices = #map1}, {transform_indices = #map1}]} {
    %mul3A = arith.constant 2 : i32
    %mul3A_0 = arith.muli %arg1, %mul3A : i32
    %add3A = arith.addi %mul3A_0, %arg0 : i32
    %mul3A_1 = arith.constant 3328 : i32
    %mul3A_2 = arith.muli %add3A, %mul3A_1 : i32
    "tpu.region"() ({
      %run_scoped3A = tpu.sem_alloc : memref<!tpu.dma_semaphore, #tpu.memory_space<semaphore_mem>>
      %dma_start3A = tpu.memref_slice %arg2[%mul3A_2] : memref<106496xi32, #tpu.memory_space<hbm>> -> memref<3328xi32, #tpu.memory_space<hbm>>
      %dma_start3A_17 = tpu.memref_slice %arg2[%mul3A_2] : memref<106496xi32, #tpu.memory_space<hbm>> -> memref<3328xi32, #tpu.memory_space<hbm>>
      tpu.enqueue_dma source(%dma_start3A_17 : memref<3328xi32, #tpu.memory_space<hbm>>) target(%arg5 : memref<3328xi32, #tpu.memory_space<vmem>>) target_semaphore(%run_scoped3A : memref<!tpu.dma_semaphore, #tpu.memory_space<semaphore_mem>>)
      %dma_wait3A_18 = tpu.memref_slice %arg2[%mul3A_2] : memref<106496xi32, #tpu.memory_space<hbm>> -> memref<3328xi32, #tpu.memory_space<hbm>>
      %dma_wait3A_19 = tpu.memref_slice %arg2[%mul3A_2] : memref<106496xi32, #tpu.memory_space<hbm>> -> memref<3328xi32, #tpu.memory_space<hbm>>
      tpu.wait_dma2 semaphore(%run_scoped3A : memref<!tpu.dma_semaphore, #tpu.memory_space<semaphore_mem>>) src(%dma_wait3A_19 : memref<3328xi32, #tpu.memory_space<hbm>>) dst(%arg5 : memref<3328xi32, #tpu.memory_space<vmem>>)
      tpu.yield
    }) : () -> ()
    %scan3A = arith.constant 0 : i32
    %scan3A_3 = arith.constant 0 : i32
    %scan3A_4 = arith.constant 208 : i32
    %scan3A_5 = arith.addi %scan3A_3, %scan3A_4 : i32
    %scan3A_6 = arith.constant 4 : i32
    scf.for %scan3A_17 = %scan3A_3 to %scan3A_5 step %scan3A_6  : i32 {
      %mul3A_18 = arith.constant 16 : i32
      %mul3A_19 = arith.muli %scan3A_17, %mul3A_18 : i32
      %iota3A = tpu.iota {dimensions = array<i32: 0>} : vector<16xi32>
      %add3A_20 = vector.broadcast %mul3A_19 : i32 to vector<16xi32>
      %add3A_21 = arith.addi %add3A_20, %iota3A : vector<16xi32>
      %jit3A = arith.constant 26 : i32
      %eq3A = arith.constant 0 : i32
      %eq3A_22 = arith.cmpi eq, %jit3A, %eq3A : i32
      %jit3A_23 = arith.constant 1 : i32
      %select_n3A = arith.select %eq3A_22, %jit3A_23, %jit3A : i32
      %rem3A = vector.broadcast %select_n3A : i32 to vector<16xi32>
      %rem3A_24 = arith.remsi %add3A_21, %rem3A : vector<16xi32>
      %ne3A = arith.constant 0 : i32
      %ne3A_25 = vector.broadcast %ne3A : i32 to vector<16xi32>
      %ne3A_26 = arith.cmpi ne, %rem3A_24, %ne3A_25 : vector<16xi32>
      %lt3A = arith.constant 0 : i32
      %lt3A_27 = vector.broadcast %lt3A : i32 to vector<16xi32>
      %lt3A_28 = arith.cmpi slt, %rem3A_24, %lt3A_27 : vector<16xi32>
      %lt3A_29 = arith.constant 0 : i32
      %lt3A_30 = arith.cmpi slt, %select_n3A, %lt3A_29 : i32
      %ne3A_31 = vector.broadcast %lt3A_30 : i1 to vector<16xi1>
      %ne3A_32 = vector.broadcast %ne3A_31 : vector<16xi1> to vector<16xi1>
      %ne3A_33 = arith.xori %lt3A_28, %ne3A_32 : vector<16xi1>
      %and3A = arith.andi %ne3A_33, %ne3A_26 : vector<16xi1>
      %add3A_34 = vector.broadcast %select_n3A : i32 to vector<16xi32>
      %add3A_35 = arith.addi %rem3A_24, %add3A_34 : vector<16xi32>
      %select_n3A_36 = arith.select %and3A, %add3A_35, %rem3A_24 : vector<16xi1>, vector<16xi32>
      %mul3A_37 = arith.constant 100000 : i32
      %mul3A_38 = vector.broadcast %mul3A_37 : i32 to vector<16xi32>
      %mul3A_39 = arith.muli %select_n3A_36, %mul3A_38 : vector<16xi32>
      %get3A = arith.index_cast %mul3A_19 : i32 to index
      %get3A_40 = tpu.vector_load %arg5[%get3A] {strides = array<i32>} : memref<3328xi32, #tpu.memory_space<vmem>>, vector<16xi32>,
      %get3A_41 = vector.shape_cast %get3A_40 : vector<16xi32> to vector<16xi32>
      %add3A_42 = arith.addi %get3A_41, %mul3A_39 : vector<16xi32>
      %swap3A = arith.index_cast %mul3A_19 : i32 to index
      %swap3A_43 = tpu.vector_load %arg6[%swap3A] {strides = array<i32>} : memref<3328xi32, #tpu.memory_space<vmem>>, vector<16xi32>,
      %swap3A_44 = vector.shape_cast %swap3A_43 : vector<16xi32> to vector<16xi32>
      %swap3A_45 = vector.shape_cast %add3A_42 : vector<16xi32> to vector<16xi32>
      tpu.vector_store %arg6[%swap3A], %swap3A_45 {strides = array<i32>} : memref<3328xi32, #tpu.memory_space<vmem>>, vector<16xi32>,
      %scan3A_46 = arith.constant 1 : i32
      %scan3A_47 = arith.addi %scan3A_17, %scan3A_46 : i32
      %mul3A_48 = arith.constant 16 : i32
      %mul3A_49 = arith.muli %scan3A_47, %mul3A_48 : i32
      %iota3A_50 = tpu.iota {dimensions = array<i32: 0>} : vector<16xi32>
      %add3A_51 = vector.broadcast %mul3A_49 : i32 to vector<16xi32>
      %add3A_52 = arith.addi %add3A_51, %iota3A_50 : vector<16xi32>
      %jit3A_53 = arith.constant 26 : i32
      %eq3A_54 = arith.constant 0 : i32
      %eq3A_55 = arith.cmpi eq, %jit3A_53, %eq3A_54 : i32
      %jit3A_56 = arith.constant 1 : i32
      %select_n3A_57 = arith.select %eq3A_55, %jit3A_56, %jit3A_53 : i32
      %rem3A_58 = vector.broadcast %select_n3A_57 : i32 to vector<16xi32>
      %rem3A_59 = arith.remsi %add3A_52, %rem3A_58 : vector<16xi32>
      %ne3A_60 = arith.constant 0 : i32
      %ne3A_61 = vector.broadcast %ne3A_60 : i32 to vector<16xi32>
      %ne3A_62 = arith.cmpi ne, %rem3A_59, %ne3A_61 : vector<16xi32>
      %lt3A_63 = arith.constant 0 : i32
      %lt3A_64 = vector.broadcast %lt3A_63 : i32 to vector<16xi32>
      %lt3A_65 = arith.cmpi slt, %rem3A_59, %lt3A_64 : vector<16xi32>
      %lt3A_66 = arith.constant 0 : i32
      %lt3A_67 = arith.cmpi slt, %select_n3A_57, %lt3A_66 : i32
      %ne3A_68 = vector.broadcast %lt3A_67 : i1 to vector<16xi1>
      %ne3A_69 = vector.broadcast %ne3A_68 : vector<16xi1> to vector<16xi1>
      %ne3A_70 = arith.xori %lt3A_65, %ne3A_69 : vector<16xi1>
      %and3A_71 = arith.andi %ne3A_70, %ne3A_62 : vector<16xi1>
      %add3A_72 = vector.broadcast %select_n3A_57 : i32 to vector<16xi32>
      %add3A_73 = arith.addi %rem3A_59, %add3A_72 : vector<16xi32>
      %select_n3A_74 = arith.select %and3A_71, %add3A_73, %rem3A_59 : vector<16xi1>, vector<16xi32>
      %mul3A_75 = arith.constant 100000 : i32
      %mul3A_76 = vector.broadcast %mul3A_75 : i32 to vector<16xi32>
      %mul3A_77 = arith.muli %select_n3A_74, %mul3A_76 : vector<16xi32>
      %get3A_78 = arith.index_cast %mul3A_49 : i32 to index
      %get3A_79 = tpu.vector_load %arg5[%get3A_78] {strides = array<i32>} : memref<3328xi32, #tpu.memory_space<vmem>>, vector<16xi32>,
      %get3A_80 = vector.shape_cast %get3A_79 : vector<16xi32> to vector<16xi32>
      %add3A_81 = arith.addi %get3A_80, %mul3A_77 : vector<16xi32>
      %swap3A_82 = arith.index_cast %mul3A_49 : i32 to index
      %swap3A_83 = tpu.vector_load %arg6[%swap3A_82] {strides = array<i32>} : memref<3328xi32, #tpu.memory_space<vmem>>, vector<16xi32>,
      %swap3A_84 = vector.shape_cast %swap3A_83 : vector<16xi32> to vector<16xi32>
      %swap3A_85 = vector.shape_cast %add3A_81 : vector<16xi32> to vector<16xi32>
      tpu.vector_store %arg6[%swap3A_82], %swap3A_85 {strides = array<i32>} : memref<3328xi32, #tpu.memory_space<vmem>>, vector<16xi32>,
      %scan3A_86 = arith.constant 2 : i32
      %scan3A_87 = arith.addi %scan3A_17, %scan3A_86 : i32
      %mul3A_88 = arith.constant 16 : i32
      %mul3A_89 = arith.muli %scan3A_87, %mul3A_88 : i32
      %iota3A_90 = tpu.iota {dimensions = array<i32: 0>} : vector<16xi32>
      %add3A_91 = vector.broadcast %mul3A_89 : i32 to vector<16xi32>
      %add3A_92 = arith.addi %add3A_91, %iota3A_90 : vector<16xi32>
      %jit3A_93 = arith.constant 26 : i32
      %eq3A_94 = arith.constant 0 : i32
      %eq3A_95 = arith.cmpi eq, %jit3A_93, %eq3A_94 : i32
      %jit3A_96 = arith.constant 1 : i32
      %select_n3A_97 = arith.select %eq3A_95, %jit3A_96, %jit3A_93 : i32
      %rem3A_98 = vector.broadcast %select_n3A_97 : i32 to vector<16xi32>
      %rem3A_99 = arith.remsi %add3A_92, %rem3A_98 : vector<16xi32>
      %ne3A_100 = arith.constant 0 : i32
      %ne3A_101 = vector.broadcast %ne3A_100 : i32 to vector<16xi32>
      %ne3A_102 = arith.cmpi ne, %rem3A_99, %ne3A_101 : vector<16xi32>
      %lt3A_103 = arith.constant 0 : i32
      %lt3A_104 = vector.broadcast %lt3A_103 : i32 to vector<16xi32>
      %lt3A_105 = arith.cmpi slt, %rem3A_99, %lt3A_104 : vector<16xi32>
      %lt3A_106 = arith.constant 0 : i32
      %lt3A_107 = arith.cmpi slt, %select_n3A_97, %lt3A_106 : i32
      %ne3A_108 = vector.broadcast %lt3A_107 : i1 to vector<16xi1>
      %ne3A_109 = vector.broadcast %ne3A_108 : vector<16xi1> to vector<16xi1>
      %ne3A_110 = arith.xori %lt3A_105, %ne3A_109 : vector<16xi1>
      %and3A_111 = arith.andi %ne3A_110, %ne3A_102 : vector<16xi1>
      %add3A_112 = vector.broadcast %select_n3A_97 : i32 to vector<16xi32>
      %add3A_113 = arith.addi %rem3A_99, %add3A_112 : vector<16xi32>
      %select_n3A_114 = arith.select %and3A_111, %add3A_113, %rem3A_99 : vector<16xi1>, vector<16xi32>
      %mul3A_115 = arith.constant 100000 : i32
      %mul3A_116 = vector.broadcast %mul3A_115 : i32 to vector<16xi32>
      %mul3A_117 = arith.muli %select_n3A_114, %mul3A_116 : vector<16xi32>
      %get3A_118 = arith.index_cast %mul3A_89 : i32 to index
      %get3A_119 = tpu.vector_load %arg5[%get3A_118] {strides = array<i32>} : memref<3328xi32, #tpu.memory_space<vmem>>, vector<16xi32>,
      %get3A_120 = vector.shape_cast %get3A_119 : vector<16xi32> to vector<16xi32>
      %add3A_121 = arith.addi %get3A_120, %mul3A_117 : vector<16xi32>
      %swap3A_122 = arith.index_cast %mul3A_89 : i32 to index
      %swap3A_123 = tpu.vector_load %arg6[%swap3A_122] {strides = array<i32>} : memref<3328xi32, #tpu.memory_space<vmem>>, vector<16xi32>,
      %swap3A_124 = vector.shape_cast %swap3A_123 : vector<16xi32> to vector<16xi32>
      %swap3A_125 = vector.shape_cast %add3A_121 : vector<16xi32> to vector<16xi32>
      tpu.vector_store %arg6[%swap3A_122], %swap3A_125 {strides = array<i32>} : memref<3328xi32, #tpu.memory_space<vmem>>, vector<16xi32>,
      %scan3A_126 = arith.constant 3 : i32
      %scan3A_127 = arith.addi %scan3A_17, %scan3A_126 : i32
      %mul3A_128 = arith.constant 16 : i32
      %mul3A_129 = arith.muli %scan3A_127, %mul3A_128 : i32
      %iota3A_130 = tpu.iota {dimensions = array<i32: 0>} : vector<16xi32>
      %add3A_131 = vector.broadcast %mul3A_129 : i32 to vector<16xi32>
      %add3A_132 = arith.addi %add3A_131, %iota3A_130 : vector<16xi32>
      %jit3A_133 = arith.constant 26 : i32
      %eq3A_134 = arith.constant 0 : i32
      %eq3A_135 = arith.cmpi eq, %jit3A_133, %eq3A_134 : i32
      %jit3A_136 = arith.constant 1 : i32
      %select_n3A_137 = arith.select %eq3A_135, %jit3A_136, %jit3A_133 : i32
      %rem3A_138 = vector.broadcast %select_n3A_137 : i32 to vector<16xi32>
      %rem3A_139 = arith.remsi %add3A_132, %rem3A_138 : vector<16xi32>
      %ne3A_140 = arith.constant 0 : i32
      %ne3A_141 = vector.broadcast %ne3A_140 : i32 to vector<16xi32>
      %ne3A_142 = arith.cmpi ne, %rem3A_139, %ne3A_141 : vector<16xi32>
      %lt3A_143 = arith.constant 0 : i32
      %lt3A_144 = vector.broadcast %lt3A_143 : i32 to vector<16xi32>
      %lt3A_145 = arith.cmpi slt, %rem3A_139, %lt3A_144 : vector<16xi32>
      %lt3A_146 = arith.constant 0 : i32
      %lt3A_147 = arith.cmpi slt, %select_n3A_137, %lt3A_146 : i32
      %ne3A_148 = vector.broadcast %lt3A_147 : i1 to vector<16xi1>
      %ne3A_149 = vector.broadcast %ne3A_148 : vector<16xi1> to vector<16xi1>
      %ne3A_150 = arith.xori %lt3A_145, %ne3A_149 : vector<16xi1>
      %and3A_151 = arith.andi %ne3A_150, %ne3A_142 : vector<16xi1>
      %add3A_152 = vector.broadcast %select_n3A_137 : i32 to vector<16xi32>
      %add3A_153 = arith.addi %rem3A_139, %add3A_152 : vector<16xi32>
      %select_n3A_154 = arith.select %and3A_151, %add3A_153, %rem3A_139 : vector<16xi1>, vector<16xi32>
      %mul3A_155 = arith.constant 100000 : i32
      %mul3A_156 = vector.broadcast %mul3A_155 : i32 to vector<16xi32>
      %mul3A_157 = arith.muli %select_n3A_154, %mul3A_156 : vector<16xi32>
      %get3A_158 = arith.index_cast %mul3A_129 : i32 to index
      %get3A_159 = tpu.vector_load %arg5[%get3A_158] {strides = array<i32>} : memref<3328xi32, #tpu.memory_space<vmem>>, vector<16xi32>,
      %get3A_160 = vector.shape_cast %get3A_159 : vector<16xi32> to vector<16xi32>
      %add3A_161 = arith.addi %get3A_160, %mul3A_157 : vector<16xi32>
      %swap3A_162 = arith.index_cast %mul3A_129 : i32 to index
      %swap3A_163 = tpu.vector_load %arg6[%swap3A_162] {strides = array<i32>} : memref<3328xi32, #tpu.memory_space<vmem>>, vector<16xi32>,
      %swap3A_164 = vector.shape_cast %swap3A_163 : vector<16xi32> to vector<16xi32>
      %swap3A_165 = vector.shape_cast %add3A_161 : vector<16xi32> to vector<16xi32>
      tpu.vector_store %arg6[%swap3A_162], %swap3A_165 {strides = array<i32>} : memref<3328xi32, #tpu.memory_space<vmem>>, vector<16xi32>,
    }
    %scan3A_7 = arith.constant 208 : i32
    %scan3A_8 = arith.constant 0 : i32
    %scan3A_9 = arith.constant 0 : i32
    %scan3A_10 = arith.constant 26 : i32
    %scan3A_11 = arith.addi %scan3A_9, %scan3A_10 : i32
    %scan3A_12 = arith.constant 1 : i32
    scf.for %scan3A_17 = %scan3A_9 to %scan3A_11 step %scan3A_12  : i32 {
      %mul3A_18 = arith.constant 128 : i32
      %mul3A_19 = arith.muli %scan3A_17, %mul3A_18 : i32
      %dma_start3A = arith.constant 0 : i32
      %dma_start3A_20 = tpu.memref_slice %arg7[%mul3A_19, %dma_start3A] : memref<3328x32xf32, #tpu.memory_space<vmem>> -> memref<128x32xf32, #tpu.memory_space<vmem>>
      %dma_start3A_21 = tpu.memref_slice %arg6[%mul3A_19] : memref<3328xi32, #tpu.memory_space<vmem>> -> memref<128xi32, #tpu.memory_space<vmem>>
      %dma_start3A_22 = arith.constant 0 : i32
      %dma_start3A_23 = arith.constant 0 : i32
      %dma_start3A_24 = tpu.memref_slice %arg3[%dma_start3A_22, %dma_start3A_23] : memref<2600000x32xf32, #tpu.memory_space<hbm>> -> memref<2600000x32xf32, #tpu.memory_space<hbm>>
      tpu.enqueue_indirect_dma source(%dma_start3A_24 : memref<2600000x32xf32, #tpu.memory_space<hbm>>) target(%dma_start3A_20 : memref<128x32xf32, #tpu.memory_space<vmem>>) offsets(%dma_start3A_21 : memref<128xi32, #tpu.memory_space<vmem>>) semaphore(%arg8 : memref<!tpu.dma_semaphore, #tpu.memory_space<semaphore_mem>>)
    }
    %scan3A_13 = arith.constant 26 : i32
    %dma_wait3A = arith.constant 0 : i32
    %dma_wait3A_14 = tpu.memref_slice %arg4[%mul3A_2, %dma_wait3A] : memref<106496x32xf32, #tpu.memory_space<hbm>> -> memref<3328x32xf32, #tpu.memory_space<hbm>>
    %dma_wait3A_15 = arith.constant 0 : i32
    %dma_wait3A_16 = tpu.memref_slice %arg4[%mul3A_2, %dma_wait3A_15] : memref<106496x32xf32, #tpu.memory_space<hbm>> -> memref<3328x32xf32, #tpu.memory_space<hbm>>
    tpu.wait_dma2 semaphore(%arg8 : memref<!tpu.dma_semaphore, #tpu.memory_space<semaphore_mem>>) src(%dma_wait3A_16 : memref<3328x32xf32, #tpu.memory_space<hbm>>) dst(%arg7 : memref<3328x32xf32, #tpu.memory_space<vmem>>)
    "tpu.region"() ({
      %run_scoped3A = tpu.sem_alloc : memref<!tpu.dma_semaphore, #tpu.memory_space<semaphore_mem>>
      %dma_start3A = arith.constant 0 : i32
      %dma_start3A_17 = tpu.memref_slice %arg4[%mul3A_2, %dma_start3A] : memref<106496x32xf32, #tpu.memory_space<hbm>> -> memref<3328x32xf32, #tpu.memory_space<hbm>>
      %dma_start3A_18 = arith.constant 0 : i32
      %dma_start3A_19 = tpu.memref_slice %arg4[%mul3A_2, %dma_start3A_18] : memref<106496x32xf32, #tpu.memory_space<hbm>> -> memref<3328x32xf32, #tpu.memory_space<hbm>>
      tpu.enqueue_dma source(%arg7 : memref<3328x32xf32, #tpu.memory_space<vmem>>) target(%dma_start3A_19 : memref<3328x32xf32, #tpu.memory_space<hbm>>) target_semaphore(%run_scoped3A : memref<!tpu.dma_semaphore, #tpu.memory_space<semaphore_mem>>)
      %dma_wait3A_20 = arith.constant 0 : i32
      %dma_wait3A_21 = tpu.memref_slice %arg4[%mul3A_2, %dma_wait3A_20] : memref<106496x32xf32, #tpu.memory_space<hbm>> -> memref<3328x32xf32, #tpu.memory_space<hbm>>
      %dma_wait3A_22 = arith.constant 0 : i32
      %dma_wait3A_23 = tpu.memref_slice %arg4[%mul3A_2, %dma_wait3A_22] : memref<106496x32xf32, #tpu.memory_space<hbm>> -> memref<3328x32xf32, #tpu.memory_space<hbm>>
      tpu.wait_dma2 semaphore(%run_scoped3A : memref<!tpu.dma_semaphore, #tpu.memory_space<semaphore_mem>>) src(%arg7 : memref<3328x32xf32, #tpu.memory_space<vmem>>) dst(%dma_wait3A_23 : memref<3328x32xf32, #tpu.memory_space<hbm>>)
      tpu.yield
    }) : () -> ()
    return
  }
}

</mosaic_0001>

<sc_bundles>
// kernel: _embed.3.cloned.1.call-start
scs
__scs_entry_jumppad:
0x0: {  	(pc) =	sbr.rel $0x88, $3  }
0x1: {  	(tag) =	ssettag $0x0;
	lr =	simm.s32 $0x1  }
0x2: {  	[smem:$0x3F9F] =	sst lr;
	_ =	strace $0xD0000000  }
0x3: {  	_ = 	snop  }
0x4: {  	_ = 	snop  }
0x5: {  	_ = 	snop  }
0x6: {  	_ = 	snop  }
0x7: {  	_ = 	snop  }
__scs_overlays_trampoline_lowered:
0x8: {  	[smem:$0x3FAE] =	sst s0  }
0x9: {  	[smem:$0x3FAF] =	sst s1  }
0xa: {  	[smem:$0x3FB0] =	sst s2  }
0xb: {  	[smem:$0x3FB1] =	sst s3  }
0xc: {  	[smem:$0x3FB2] =	sst s4  }
0xd: {  	[smem:$0x3FB3] =	sst s5  }
0xe: {  	[smem:$0x3FB4] =	sst s6  }
0xf: {  	[smem:$0x3FB5] =	sst s7  }
0x10: {  	[smem:$0x3FB6] =	sst s8  }
0x11: {  	[smem:$0x3FB7] =	sst s9;
	s0 =	simm.s32 @!p0 $0x0  }
0x12: {  	s1 =	sld [smem:$0x3F9D];
	s0 =	simm.s32 @p0 $0x1  }
0x13: {  	[smem:$0x3FB8] =	sst s0;
	s0 =	simm.s32 @!p1 $0x0  }
0x14: {  	s2 =	sld [smem:$0x3F9C];
	s0 =	simm.s32 @p1 $0x1  }
0x15: {  	[smem:$0x3FB9] =	sst s0;
	s0 =	simm.s32 @!p2 $0x0  }
0x16: {  	s3 =	sld [smem:$0x3FDB];
	s0 =	simm.s32 @p2 $0x1  }
0x17: {  	s4 =	simm.s32 $0x1BF5;
	[smem:$0x3FBB] =	sst s0  }
0x18: {  	s0 =	sld [smem:$0x3F9E];
	_ =	swait.ge [sflag:s4], $0x0  }
0x19: {  	s7 =	sld [smem:$0x3F9F]  }
0x1a: {  	s8 =	sadd.s32 $0xFFFFE003, lr  }
0x1b: {  	s9 =	sadd.s32 $0xFFFFFEF7, lr;
	s5 =	simm.s32 $0xFFFFFFFF;
	p2 =	slt.u32 s8, $0xFFFFF086  }
0x1c: {  	p1 =	slt.u32 s9, $0xF7A;
	s5 =	simm.s32 @!p2 $0x0  }
0x1d: {  	s5 =	simm.s32 @p1 $0x1;
	p0 =	seq.s32 s7, s2  }
0x1e: {  	s7 =	smul.u32 @!p0 $0xF7A, s2;
	p2 =	seq.s32 @!p0 s5, $0x0  }
0x1f: {  	s9 =	smul.u32 $0xF7A, s1;
	s8 =	simm.s32 @!p0 $0x1BF5;
	p2 =	por !p2, p0  }
0x20: {  	[sflag:s8] =	ssyncset.s32 @!p0 $0xFFFFF086;
	s6 =	sadd.s32 @!p0 s3, s7;
	s7 =	simm.s32 @!p0 $0x108  }
0x21: {  	s3 =	sadd.s32 s3, s9;
	s6 =	sadd.s32 @!p0 $0x88, s6;
	s7 =	simm.s32 @p2 $0x1082  }
0x22: {  	[simem:s7], [sflag:s8] =	dma.local @!p0 [hbm:s6], $0xF7A  }
0x23: {  	s9 =	sor.u32 $0xD0000000, s2;
	s6 =	simm.s32 $0x108;
	_ =	swait.ge @!p0 [sflag:s8], $0x0  }
0x24: {  	s3 =	sadd.s32 $0x88, s3;
	s6 =	simm.s32 @!p1 $0x1082;
	[sflag:s4] =	ssyncset.s32 $0xFFFFF086  }
0x25: {  	[simem:s6], [sflag:s4] =	dma.local [hbm:s3], $0xF7A  }
0x26: {  	[smem:$0x3F9F] =	sst s1;
	(tag) =	ssettag s2;
	_ =	strace s9  }
0x27: {  	s1 =	sld [smem:$0x3FAF]  }
0x28: {  	s2 =	sld [smem:$0x3FB0]  }
0x29: {  	s4 =	sld [smem:$0x3FB2]  }
0x2a: {  	p0 =	seq.s32 s5, $0x0;
	s5 =	sld [smem:$0x3FB3]  }
0x2b: {  	s6 =	sld [smem:$0x3FB4]  }
0x2c: {  	s7 =	sld [smem:$0x3FB5]  }
0x2d: {  	s3 =	simm.s32 $0x108;
	s8 =	sld [smem:$0x3FB6]  }
0x2e: {  	s3 =	simm.s32 @!p0 $0x1082;
	s9 =	sld [smem:$0x3FB7]  }
0x2f: {  	lr =	sadd.s32 s0, s3;
	s0 =	sld [smem:$0x3FAE]  }
0x30: {  	s3 =	sld [smem:$0x3FB1]  }
0x31: {  	[smem:$0x3FBA] =	sst s10  }
0x32: {  	s10 =	sld [smem:$0x3FB8];
	_ =	sdelay $0x3  }
0x33: {  	p0 =	seq.s32 s10, $0x1;
	s10 =	sld [smem:$0x3FBA];
	_ =	sdelay $0x3  }
0x34: {  	[smem:$0x3FBA] =	sst s10  }
0x35: {  	s10 =	sld [smem:$0x3FB9];
	_ =	sdelay $0x3  }
0x36: {  	p1 =	seq.s32 s10, $0x1;
	s10 =	sld [smem:$0x3FBA];
	_ =	sdelay $0x3  }
0x37: {  	[smem:$0x3FBA] =	sst s10  }
0x38: {  	s10 =	sld [smem:$0x3FBB]  }
0x39: {  	_ = 	snop;
	(pc) =	sbr.ind lr, $3  }
0x3a: {  	_ = 	snop  }
0x3b: {  	_ = 	snop  }
0x3c: {  	p2 =	seq.s32 s10, $0x1;
	s10 =	sld [smem:$0x3FBA]  }
0x3d: {  	_ =	shalt  }
0x3e: {  	_ =	shalt  }
0x3f: {  	_ =	shalt  }
0x40: {  	_ =	shalt  }
0x41: {  	_ =	shalt  }
0x42: {  	_ =	shalt  }
0x43: {  	_ =	shalt  }
0x44: {  	_ =	shalt  }
0x45: {  	_ =	shalt  }
0x46: {  	_ =	shalt  }
0x47: {  	_ =	shalt  }
0x48: {  	_ =	shalt  }
0x49: {  	_ =	shalt  }
0x4a: {  	_ =	shalt  }
0x4b: {  	_ =	shalt  }
0x4c: {  	_ =	shalt  }
0x4d: {  	_ =	shalt  }
0x4e: {  	_ =	shalt  }
0x4f: {  	_ =	shalt  }
0x50: {  	_ =	shalt  }
0x51: {  	_ =	shalt  }
0x52: {  	_ =	shalt  }
0x53: {  	_ =	shalt  }
0x54: {  	_ =	shalt  }
0x55: {  	_ =	shalt  }
0x56: {  	_ =	shalt  }
0x57: {  	_ =	shalt  }
0x58: {  	_ =	shalt  }
0x59: {  	_ =	shalt  }
0x5a: {  	_ =	shalt  }
0x5b: {  	_ =	shalt  }
0x5c: {  	_ =	shalt  }
0x5d: {  	_ =	shalt  }
0x5e: {  	_ =	shalt  }
0x5f: {  	_ =	shalt  }
0x60: {  	_ =	shalt  }
0x61: {  	_ =	shalt  }
0x62: {  	_ =	shalt  }
0x63: {  	_ =	shalt  }
0x64: {  	_ =	shalt  }
0x65: {  	_ =	shalt  }
0x66: {  	_ =	shalt  }
0x67: {  	_ =	shalt  }
0x68: {  	_ =	shalt  }
0x69: {  	_ =	shalt  }
0x6a: {  	_ =	shalt  }
0x6b: {  	_ =	shalt  }
0x6c: {  	_ =	shalt  }
0x6d: {  	_ =	shalt  }
0x6e: {  	_ =	shalt  }
0x6f: {  	_ =	shalt  }
0x70: {  	_ =	shalt  }
0x71: {  	_ =	shalt  }
0x72: {  	_ =	shalt  }
0x73: {  	_ =	shalt  }
0x74: {  	_ =	shalt  }
0x75: {  	_ =	shalt  }
0x76: {  	_ =	shalt  }
0x77: {  	_ =	shalt  }
0x78: {  	_ =	shalt  }
0x79: {  	_ =	shalt  }
0x7a: {  	_ =	shalt  }
0x7b: {  	_ =	shalt  }
0x7c: {  	_ =	shalt  }
0x7d: {  	_ =	shalt  }
0x7e: {  	_ =	shalt  }
0x7f: {  	_ =	shalt  }
0x80: {  	_ =	shalt  }
0x81: {  	_ =	shalt  }
0x82: {  	_ =	shalt  }
0x83: {  	_ =	shalt  }
0x84: {  	_ =	shalt  }
0x85: {  	_ =	shalt  }
0x86: {  	_ =	shalt  }
0x87: {  	_ =	shalt  }
.Lfunc_end0:
.L_simem_size_0:
called_computation_lowered:
.L_overlay_start_0:
0x88: {  	s2 =	sld [smem:$0x3FD9]  }
0x89: {  	s3 =	sld [smem:$0x3FFE];
	_ =	sdelay $0x1  }
0x8a: {  	s1 =	srdreg.scid  }
0x8b: {  	s0 =	sand.u32 $0x1, s1  }
0x8c: {  	s17 =	sshll.u32 s0, $0xA;
	s2 =	sadd.s32 s3, s2  }
0x8d: {  	s2 =	sadd.s32 s2, s17  }
0x8e: {  	[smem:$0x3FC6] =	sst s2  }
0x8f: {  	_ = 	snop  }
0x90: {  	s2 =	sld [smem:$0x3FD0];
	(tm) =	ssettm $0x1  }
0x91: {  	s18 =	sld [smem:$0x3FFB];
	_ =	sdelay $0x3  }
0x92: {  	_ =	strace s18  }
0x93: {  	s3 =	sld [smem:$0x3FFC];
	_ =	sdelay $0x3  }
0x94: {  	_ =	strace s3  }
0x95: {  	s3 =	sld [smem:$0x3FFD];
	_ =	sdelay $0x3  }
0x96: {  	_ =	strace s3  }
0x97: {  	_ =	strace $0x8FFFFFFF  }
0x98: {  	s19 =	sld [smem:$0x3FDB];
	_ =	sdelay $0x1  }
0x99: {  	s4 =	simm.s32 $_scs_section_size  }
0x9a: {  	s5 =	simm.s32 $_size__tile_overlayer_lowered;
	s6 =	simm.s32 $_tile_overlayer_lowered  }
0x9b: {  	s22 =	simm.s32 $0x1BFF;
	s21 =	sshll.u32 s6, $0x1;
	s3 =	sadd.s32 s4, s19  }
0x9c: {  	s7 =	simm.s32 $0x0;
	s20 =	sshll.u32 s5, $0x1;
	s5 =	sadd.s32 s21, s3  }
0x9d: {  	[timem:s7], [sflag:s22] =	dma.local [hbm:s5], s20  }
0x9e: {  	_ =	swait.ge [sflag:s22], s20  }
0x9f: {  	s4 =	ssub.s32 $0x0, s20;
	[sflag:s22] =	ssyncset.done $0x0  }
0xa0: {  	[sflag:s22] =	ssyncadd.s32 s4;
	_ =	sdelay $0x1  }
0xa1: {  	s23 =	simm.s32 $0x1B8B  }
0xa2: {  	_ =	swait.ge [sflag:s23], $0x1  }
0xa3: {  	[sflag:s23] =	ssyncset.done $0x0  }
0xa4: {  	s25 =	simm.s32 $0x1B8E;
	s24 =	sld [smem:$0x3FFE];
	[sflag:s23] =	ssyncadd.s32 $0xFFFFFFFF  }
0xa5: {  	s26 =	simm.s32 $execute0_lowered;
	[smem:$0x3FD2] =	sst s25  }
0xa6: {  	s5 =	sshll.u32 s26, $0x1;
	_ =	strace $0x80000046;
	[dreg:$0x1] =	wrdreg $0xFFFFFFFF  }
0xa7: {  	s28 =	simm.s32 $_size_execute0_lowered;
	s3 =	sadd.s32 s3, s5;
	[dreg:$0x0] =	wrdreg $0x0  }
0xa8: {  	s5 =	sshll.u32 s28, $0x1;
	[dreg:$0x2] =	wrdreg s3  }
0xa9: {  	[dreg:$0x3] =	wrdreg s5  }
0xaa: {  	[dreg:$0x4] =	wrdreg $0xC0  }
0xab: {  	_ =	task [dreg:s7], $0x5FFFF  }
0xac: {  	[dreg:$0x1] =	wrdreg $0xFFFFFFFF  }
0xad: {  	[dreg:$0x0] =	wrdreg $0x60  }
0xae: {  	[dreg:$0x2] =	wrdreg s24  }
0xaf: {  	[dreg:$0x3] =	wrdreg s2  }
0xb0: {  	[dreg:$0x4] =	wrdreg $0x9  }
0xb1: {  	_ =	task.clear_ibuf [dreg:s7], $0x5FFFF;
	_ =	strace $0x90000046  }
0xb2: {  	s29 =	simm.s32 $0x9;
	_ =	strace $0x80000048  }
0xb3: {  	_ =	swait.ge [sflag:s29], $0x1  }
0xb4: {  	[sflag:s29] =	ssyncadd.s32 $0xFFFFFFFF  }
0xb5: {  	_ =	strace $0x90000048  }
0xb6: {  	_ =	sfence  }
0xb7: {  	s30 =	sld [smem:$0x0];
	_ =	sdelay $0x2  }
0xb8: {  	s31 =	sshll.u32 s1, $0xD;
	s1 =	sshrl.u32 s1, $0x2  }
0xb9: {  	s3 =	sand.u32 $0x4000, s31;
	s1 =	sadd.s32 s1, s30  }
0xba: {  	s0 =	sor.u32 s3, s0;
	s1 =	sshll.u32 s1, $0x11  }
0xbb: {  	s0 =	sor.u32 s1, s0  }
0xbc: {  	s0 =	sadd.s32 $0x8F2B, s0  }
0xbd: {  	[sflag:s0] =	ssyncadd.remote.s32 $0x1  }
0xbe: {  	_ =	sfence.sel $0xFFFF  }
0xbf: {  	[dreg:$0x0] =	wrdreg $0xFFFFFFFF;
	(pc) =	sbr.abs _section_cstart, $3  }
0xc0: {  	[dreg:$0x1] =	wrdreg $0xFFFFFFFF  }
0xc1: {  	_ =	task.clear_ibuf [dreg:s7], $0x2FFFF;
	_ =	strace $0x9FFFFFFF  }
0xc2: {  	(tm) =	ssettm $0x7FFFFFFF  }
0xc3: {  	_ =	shalt  }
tec
execute0_lowered:
.L_overlay_start_1:
0x0: {  	(tag) =	ssettag $0x1  }
0x1: {  	s0 =	rddreg [dreg:$0x0];
	s1 =	srdreg.scid  }
0x2: {  	s2 =	stileid.u32;
	s5 =	rddreg [dreg:$0x1];
	s7 =	simm.s32 $0x2  }
0x3: {  	s8 =	simm.s32 $0x80;
	s10 =	simm.s32 $0x1A00;
	s22 =	simm.s32 $0x1600  }
0x4: {  	s23 =	simm.s32 $0x13A00;
	s24 =	simm.s32 $0x1680;
	s25 =	simm.s32 $0x14A00  }
0x5: {  	s28 =	simm.s32 $0x15A00;
	s29 =	simm.s32 $0x1780;
	s30 =	simm.s32 $0x16A00  }
0x6: {  	s31 =	simm.s32 $0x1800;
	s9 =	simm.s32 $0x18A00;
	s11 =	simm.s32 $0x1900  }
0x7: {  	s12 =	simm.s32 $0x19A00;
	s13 =	simm.s32 $0x1980;
	s14 =	simm.s32 $0x1AA00  }
0x8: {  	s15 =	simm.s32 $0x1;
	s1 =	sand.u32 $0x1, s1;
	s3 =	sshll.u32 s2, $0x1  }
0x9: {  	s16 =	simm.s32 $0x0;
	s2 =	simm.s32 $0x0;
	s3 =	sor.u32 s1, s3  }
0xa: {  	[smem:$0x7FF] =	sst s2;
	s1 =	ssub.s32 $0x2, s1;
	s4 =	smul.u32 $0x1A0, s3  }
0xb: {  	_ =	strace $0x80000047;
	s6 =	smul.u32 $0x3400, s3;
	s26 =	sshrl.u32 s1, $0x1  }
0xc: {  	s3 =	sadd.s32 $0x27ACA00, s0;
	s4 =	sadd.s32 s4, s0;
	s0 =	ssub.s32 s1, s26  }
0xd: {  	s5 =	sadd.s32 s5, s6;
	s26 =	simm.s32 $0x1700;
	s1 =	simm.s32 $0x17A00  }
0xe: {  	v0 =	vlaneseq.u32;
	s4 =	sadd.s32 $0x600, s4;
	s6 =	smax.u32 s0, $0x1;
	s0 =	simm.s32 $0x1880  }
.LBB2_1:
0xf: {  	[tilespmem:s2], [sflag:$0x2] =	stream.linear.gather [hbm4b:s4+s2], $0xD00, $0x38;
	v1 =	vor.u32 s2, v0;
	[tilespmem:$0x1BA00] =	vst v63  }
0x10: {  	_ =	swait.ge [sflag:s7], $0xD00;
	v2 =	vmulhi.u32 $0x4EC4EC4F, v1  }
0x11: {  	[sflag:s7] =	ssyncset.done $0x0  }
0x12: {  	s17 =	simm.s32 $0x20;
	[sflag:s7] =	ssyncadd.s32 $0xFFFFF300;
	v2 =	vshrl.u32 v2, $0x3  }
0x13: {  	v2 =	vmul.u32 $0x1A, v2;
	v3 =	vld [tilespmem:s17+$0xFFFFFFE0];
	_ =	sdelay $0x1  }
0x14: {  	s18 =	simm.s32 $0x10;
	v1 =	vsub.s32 v1, v2  }
0x15: {  	v2 =	vor.u32 s18, v0;
	v1 =	vmul.u32 $0x186A0, v1  }
0x16: {  	v4 =	vmulhi.u32 $0x4EC4EC4F, v2  }
0x17: {  	s18 =	simm.s32 $0xD20;
	v1 =	vadd.s32 v1, v3  }
0x18: {  	[tilespmem:s18+$0xFFFFFFE0] =	vst v1;
	v1 =	vshrl.u32 v4, $0x3  }
0x19: {  	v1 =	vmul.u32 $0x1A, v1;
	v3 =	vld [tilespmem:s17+$0xFFFFFFF0];
	_ =	sdelay $0x1  }
0x1a: {  	s19 =	simm.s32 $0x20;
	v1 =	vsub.s32 v2, v1  }
0x1b: {  	v2 =	vor.u32 s19, v0;
	v1 =	vmul.u32 $0x186A0, v1  }
0x1c: {  	v62 =	vmulhi.u32 $0x4EC4EC4F, v2  }
0x1d: {  	v1 =	vadd.s32 v1, v3  }
0x1e: {  	[tilespmem:s18+$0xFFFFFFF0] =	vst v1;
	v1 =	vshrl.u32 v62, $0x3  }
0x1f: {  	v1 =	vmul.u32 $0x1A, v1;
	v3 =	vld [tilespmem:s17+$0x0];
	_ =	sdelay $0x1  }
0x20: {  	s21 =	simm.s32 $0x30;
	v1 =	vsub.s32 v2, v1  }
0x21: {  	v63 =	vor.u32 s21, v0;
	v1 =	vmul.u32 $0x186A0, v1  }
0x22: {  	v2 =	vmulhi.u32 $0x4EC4EC4F, v63  }
0x23: {  	v1 =	vadd.s32 v1, v3  }
0x24: {  	v2 =	vshrl.u32 v2, $0x3;
	[tilespmem:s18+$0x0] =	vst v1  }
0x25: {  	v2 =	vmul.u32 $0x1A, v2;
	v1 =	vld [tilespmem:s17+$0x10];
	_ =	sdelay $0x1  }
0x26: {  	s20 =	simm.s32 $0x40;
	s19 =	simm.s32 $0x0;
	v2 =	vsub.s32 v63, v2  }
.LBB2_2:
0x27: {  	v3 =	vor.u32 s20, v0;
	s19 =	sadd.s32 $0x4, s19;
	v2 =	vmul.u32 $0x186A0, v2  }
0x28: {  	v4 =	vmulhi.u32 $0x4EC4EC4F, v3;
	p0 =	slt.u32 s19, $0xCC  }
0x29: {  	v1 =	vadd.s32 v2, v1  }
0x2a: {  	s17 =	sadd.s32 $0x40, s17;
	v2 =	vshrl.u32 v4, $0x3;
	[tilespmem:s18+$0x10] =	vst v1  }
0x2b: {  	v1 =	vmul.u32 $0x1A, v2;
	v2 =	vld [tilespmem:s17+$0xFFFFFFE0];
	_ =	sdelay $0x1  }
0x2c: {  	s21 =	sadd.s32 $0x10, s20;
	v1 =	vsub.s32 v3, v1  }
0x2d: {  	v3 =	vor.u32 s21, v0;
	v1 =	vmul.u32 $0x186A0, v1  }
0x2e: {  	v4 =	vmulhi.u32 $0x4EC4EC4F, v3  }
0x2f: {  	s18 =	sadd.s32 $0x40, s18;
	v1 =	vadd.s32 v1, v2  }
0x30: {  	[tilespmem:s18+$0xFFFFFFE0] =	vst v1;
	v1 =	vshrl.u32 v4, $0x3  }
0x31: {  	v1 =	vmul.u32 $0x1A, v1;
	v2 =	vld [tilespmem:s17+$0xFFFFFFF0];
	_ =	sdelay $0x1  }
0x32: {  	s21 =	sadd.s32 $0x20, s20;
	v1 =	vsub.s32 v3, v1  }
0x33: {  	v3 =	vor.u32 s21, v0;
	v1 =	vmul.u32 $0x186A0, v1  }
0x34: {  	v4 =	vmulhi.u32 $0x4EC4EC4F, v3  }
0x35: {  	v1 =	vadd.s32 v1, v2  }
0x36: {  	[tilespmem:s18+$0xFFFFFFF0] =	vst v1;
	v1 =	vshrl.u32 v4, $0x3  }
0x37: {  	v1 =	vmul.u32 $0x1A, v1;
	v2 =	vld [tilespmem:s17+$0x0];
	_ =	sdelay $0x1  }
0x38: {  	s21 =	sadd.s32 $0x30, s20;
	v1 =	vsub.s32 v3, v1  }
0x39: {  	v3 =	vor.u32 s21, v0;
	v1 =	vmul.u32 $0x186A0, v1  }
0x3a: {  	v4 =	vmulhi.u32 $0x4EC4EC4F, v3  }
.Ltmp0:
0x3b: {  	v1 =	vadd.s32 v1, v2;
	(pc) =	sbr.rel @p0 .LBB2_2-.Ltmp0, $3  }
0x3c: {  	[tilespmem:s18+$0x0] =	vst v1;
	v1 =	vshrl.u32 v4, $0x3  }
0x3d: {  	v2 =	vmul.u32 $0x1A, v1;
	v1 =	vld [tilespmem:s17+$0x10];
	_ =	sdelay $0x1  }
0x3e: {  	s20 =	sadd.s32 $0x40, s20;
	v2 =	vsub.s32 v3, v2  }
0x3f: {  	v2 =	vmul.u32 $0x186A0, v2;
	_ =	sdelay $0x1  }
0x40: {  	v1 =	vadd.s32 v2, v1  }
0x41: {  	s17 =	simm.s32 $0xD00;
	[tilespmem:s18+$0x10] =	vst v1  }
0x42: {  	[tilespmem:s10], [sflag:$0x1] =	stream.indirect.gather [hbm4b:s3+s8], $0x20, s17, s8, $0xb8;
	[tilespmem:$0x1BA00] =	vst v63  }
0x43: {  	s20 =	simm.s32 $0xD80;
	s21 =	simm.s32 $0x2A00  }
0x44: {  	[tilespmem:s21], [sflag:$0x1] =	stream.indirect.gather [hbm4b:s3+s8], $0x20, s20, s8, $0xb8;
	[tilespmem:$0x1BA00] =	vst v63  }
0x45: {  	s19 =	simm.s32 $0x3A00;
	s18 =	simm.s32 $0xE00  }
0x46: {  	[tilespmem:s19], [sflag:$0x1] =	stream.indirect.gather [hbm4b:s3+s8], $0x20, s18, s8, $0xb8;
	[tilespmem:$0x1BA00] =	vst v63  }
0x47: {  	s20 =	simm.s32 $0xE80;
	s21 =	simm.s32 $0x4A00  }
0x48: {  	[tilespmem:s21], [sflag:$0x1] =	stream.indirect.gather [hbm4b:s3+s8], $0x20, s20, s8, $0xb8;
	[tilespmem:$0x1BA00] =	vst v63  }
0x49: {  	s18 =	simm.s32 $0xF00;
	s19 =	simm.s32 $0x5A00  }
0x4a: {  	[tilespmem:s19], [sflag:$0x1] =	stream.indirect.gather [hbm4b:s3+s8], $0x20, s18, s8, $0xb8;
	[tilespmem:$0x1BA00] =	vst v63  }
0x4b: {  	s20 =	simm.s32 $0xF80;
	s21 =	simm.s32 $0x6A00  }
0x4c: {  	[tilespmem:s21], [sflag:$0x1] =	stream.indirect.gather [hbm4b:s3+s8], $0x20, s20, s8, $0xb8;
	[tilespmem:$0x1BA00] =	vst v63  }
0x4d: {  	s18 =	simm.s32 $0x1000;
	s19 =	simm.s32 $0x7A00  }
0x4e: {  	[tilespmem:s19], [sflag:$0x1] =	stream.indirect.gather [hbm4b:s3+s8], $0x20, s18, s8, $0xb8;
	[tilespmem:$0x1BA00] =	vst v63  }
0x4f: {  	s20 =	simm.s32 $0x1080;
	s21 =	simm.s32 $0x8A00  }
0x50: {  	[tilespmem:s21], [sflag:$0x1] =	stream.indirect.gather [hbm4b:s3+s8], $0x20, s20, s8, $0xb8;
	[tilespmem:$0x1BA00] =	vst v63  }
0x51: {  	s18 =	simm.s32 $0x1100;
	s19 =	simm.s32 $0x9A00  }
0x52: {  	[tilespmem:s19], [sflag:$0x1] =	stream.indirect.gather [hbm4b:s3+s8], $0x20, s18, s8, $0xb8;
	[tilespmem:$0x1BA00] =	vst v63  }
0x53: {  	s20 =	simm.s32 $0x1180;
	s21 =	simm.s32 $0xAA00  }
0x54: {  	[tilespmem:s21], [sflag:$0x1] =	stream.indirect.gather [hbm4b:s3+s8], $0x20, s20, s8, $0xb8;
	[tilespmem:$0x1BA00] =	vst v63  }
0x55: {  	s18 =	simm.s32 $0x1200;
	s19 =	simm.s32 $0xBA00  }
0x56: {  	[tilespmem:s19], [sflag:$0x1] =	stream.indirect.gather [hbm4b:s3+s8], $0x20, s18, s8, $0xb8;
	[tilespmem:$0x1BA00] =	vst v63  }
0x57: {  	s20 =	simm.s32 $0x1280;
	s21 =	simm.s32 $0xCA00  }
0x58: {  	[tilespmem:s21], [sflag:$0x1] =	stream.indirect.gather [hbm4b:s3+s8], $0x20, s20, s8, $0xb8;
	[tilespmem:$0x1BA00] =	vst v63  }
0x59: {  	s18 =	simm.s32 $0x1300;
	s19 =	simm.s32 $0xDA00  }
0x5a: {  	[tilespmem:s19], [sflag:$0x1] =	stream.indirect.gather [hbm4b:s3+s8], $0x20, s18, s8, $0xb8;
	[tilespmem:$0x1BA00] =	vst v63  }
0x5b: {  	s20 =	simm.s32 $0x1380;
	s21 =	simm.s32 $0xEA00  }
0x5c: {  	[tilespmem:s21], [sflag:$0x1] =	stream.indirect.gather [hbm4b:s3+s8], $0x20, s20, s8, $0xb8;
	[tilespmem:$0x1BA00] =	vst v63  }
0x5d: {  	s18 =	simm.s32 $0x1400;
	s19 =	simm.s32 $0xFA00  }
0x5e: {  	[tilespmem:s19], [sflag:$0x1] =	stream.indirect.gather [hbm4b:s3+s8], $0x20, s18, s8, $0xb8;
	[tilespmem:$0x1BA00] =	vst v63  }
0x5f: {  	s20 =	simm.s32 $0x1480;
	s21 =	simm.s32 $0x10A00  }
0x60: {  	[tilespmem:s21], [sflag:$0x1] =	stream.indirect.gather [hbm4b:s3+s8], $0x20, s20, s8, $0xb8;
	[tilespmem:$0x1BA00] =	vst v63  }
0x61: {  	s18 =	simm.s32 $0x1500;
	s19 =	simm.s32 $0x11A00  }
0x62: {  	[tilespmem:s19], [sflag:$0x1] =	stream.indirect.gather [hbm4b:s3+s8], $0x20, s18, s8, $0xb8;
	[tilespmem:$0x1BA00] =	vst v63  }
0x63: {  	s20 =	simm.s32 $0x1580;
	s21 =	simm.s32 $0x12A00  }
0x64: {  	[tilespmem:s21], [sflag:$0x1] =	stream.indirect.gather [hbm4b:s3+s8], $0x20, s20, s8, $0xb8;
	[tilespmem:$0x1BA00] =	vst v63  }
0x65: {  	_ = 	snop  }
0x66: {  	[tilespmem:s23], [sflag:$0x1] =	stream.indirect.gather [hbm4b:s3+s8], $0x20, s22, s8, $0xb8;
	[tilespmem:$0x1BA00] =	vst v63  }
0x67: {  	_ = 	snop  }
0x68: {  	[tilespmem:s25], [sflag:$0x1] =	stream.indirect.gather [hbm4b:s3+s8], $0x20, s24, s8, $0xb8;
	[tilespmem:$0x1BA00] =	vst v63  }
0x69: {  	_ = 	snop  }
0x6a: {  	[tilespmem:s28], [sflag:$0x1] =	stream.indirect.gather [hbm4b:s3+s8], $0x20, s26, s8, $0xb8;
	[tilespmem:$0x1BA00] =	vst v63  }
0x6b: {  	_ = 	snop  }
0x6c: {  	[tilespmem:s30], [sflag:$0x1] =	stream.indirect.gather [hbm4b:s3+s8], $0x20, s29, s8, $0xb8;
	[tilespmem:$0x1BA00] =	vst v63  }
0x6d: {  	_ = 	snop  }
0x6e: {  	[tilespmem:s1], [sflag:$0x1] =	stream.indirect.gather [hbm4b:s3+s8], $0x20, s31, s8, $0xb8;
	[tilespmem:$0x1BA00] =	vst v63  }
0x6f: {  	_ = 	snop  }
0x70: {  	[tilespmem:s9], [sflag:$0x1] =	stream.indirect.gather [hbm4b:s3+s8], $0x20, s0, s8, $0xb8;
	[tilespmem:$0x1BA00] =	vst v63  }
0x71: {  	_ = 	snop  }
0x72: {  	[tilespmem:s12], [sflag:$0x1] =	stream.indirect.gather [hbm4b:s3+s8], $0x20, s11, s8, $0xb8;
	[tilespmem:$0x1BA00] =	vst v63  }
0x73: {  	_ = 	snop  }
0x74: {  	[tilespmem:s14], [sflag:$0x1] =	stream.indirect.gather [hbm4b:s3+s8], $0x20, s13, s8, $0xb8;
	[tilespmem:$0x1BA00] =	vst v63  }
0x75: {  	s16 =	sadd.s32 $0x1, s16;
	_ =	swait.ge [sflag:s15], $0x1A000  }
0x76: {  	p0 =	sne.s32 s16, s6;
	[sflag:s15] =	ssyncset.done $0x0  }
.Ltmp1:
0x77: {  	[sflag:s15] =	ssyncadd.s32 $0xFFFE6000;
	(pc) =	sbr.rel @p0 .LBB2_1-.Ltmp1, $4  }
0x78: {  	[hbm4b:s5+s2] =	stream.linear.scatter [tilespmem:s10], [sflag:$0x2], $0x1A000, $0x38;
	[tilespmem:$0x1BA00] =	vst v63  }
0x79: {  	_ =	swait.ge [sflag:s7], $0x1A000  }
0x7a: {  	[sflag:s7] =	ssyncset.done $0x0  }
0x7b: {  	[sflag:s7] =	ssyncadd.s32 $0xFFFE6000  }
0x7c: {  	_ =	sfence.sel $0x180000  }
0x7d: {  	[bflag:$0x0] =	sbarrier.arrive $0xFFFF  }
0x7e: {  	_ =	strace $0x90000047  }
0x7f: {  	s0 =	stileid.u32;
	[bflag:$0x2] =	sbarrier.arrive $0xFFFF  }
0x80: {  	p0 =	sne.s32 s0, $0x0;
	s0 =	rddreg [dreg:$0x2]  }
0x81: {  	s0 =	sadd.s32 @!p0 $0x100000, s0  }
0x82: {  	[sflag:s0] =	ssyncadd.tile.s32 @!p0 $0x1;
	_ =	shalt  }
.Lfunc_end2:
_tile_overlayer_lowered:
.L_overlay_start_2:
0x83: {  	(tag) =	ssettag $0x2  }
0x84: {  	s0 =	rddreg [dreg:$0x0];
	s2 =	stileid.u32  }
0x85: {  	s1 =	rddreg [dreg:$0x1];
	p0 =	sne.s32 s2, $0x0  }
0x86: {  	s3 =	rddreg [dreg:$0x2];
	[bflag:$0x3] =	sbarrier.arrive $0xFFFF;
	s2 =	simm.s32 @!p0 $0x1C02  }
0x87: {  	[timem:s3], [sflag:s2] =	dma.local @!p0 [hbm:s0], s1  }
0x88: {  	s0 =	simm.s32 @!p0 $0x2  }
0x89: {  	_ =	swait.ge @!p0 [sflag:s0], s1  }
0x8a: {  	s1 =	ssub.s32 @!p0 $0x0, s1;
	[sflag:s0] =	ssyncset.done @!p0 $0x0  }
0x8b: {  	[sflag:s0] =	ssyncadd.s32 @!p0 s1  }
0x8c: {  	[bflag:$0x3] =	sbarrier.arrive $0xFFFF  }
0x8d: {  	_ =	shalt  }

</sc_bundles>
